<compile_context>
chip_gen: v7x
topology: tpu7x:2x2x1
jax: 0.10.2.dev20260603
libtpu: 0.0.44.dev20260713+nightly
codegen_flags: <defaults>
</compile_context>

<pallas_src>
import functools

import jax
import jax.numpy as jnp
from jax import lax
from jax.experimental import pallas as pl
from jax.experimental.pallas import tpu as pltpu
from jax.experimental.pallas import tpu_sc as plsc

_B_BLK = 32


def _gather_sc(view_ids, side_ids, view_embed, side_embed):
    B = view_ids.shape[0]
    D = view_embed.shape[1]
    info = plsc.get_sparse_core_info()
    NC, NS = info.num_cores, info.num_subcores
    NW = NC * NS
    b_per_w = B // NW
    mesh = plsc.VectorSubcoreMesh(core_axis_name="c", subcore_axis_name="s")

    @functools.partial(
        pl.kernel,
        mesh=mesh,
        out_type=(
            jax.ShapeDtypeStruct((B, D), jnp.float32),
            jax.ShapeDtypeStruct((B, D), jnp.float32),
        ),
        scratch_types=[
            pltpu.VMEM((b_per_w,), jnp.int32),
            pltpu.VMEM((b_per_w,), jnp.int32),
            pltpu.VMEM((b_per_w, D), jnp.float32),
            pltpu.VMEM((b_per_w, D), jnp.float32),
            pltpu.SemaphoreType.DMA,
            pltpu.SemaphoreType.DMA,
        ],
    )
    def k(vids_hbm, sids_hbm, ve_hbm, se_hbm, vout_hbm, sout_hbm,
          vidx, sidx, vrows, srows, sem1, sem2):
        wid = lax.axis_index("s") * NC + lax.axis_index("c")
        base = wid * b_per_w
        pltpu.sync_copy(vids_hbm.at[pl.ds(base, b_per_w)], vidx)
        pltpu.sync_copy(sids_hbm.at[pl.ds(base, b_per_w)], sidx)
        cv = pltpu.async_copy(ve_hbm.at[vidx], vrows, sem1)
        cs = pltpu.async_copy(se_hbm.at[sidx], srows, sem2)
        cv.wait()
        cs.wait()
        pltpu.sync_copy(vrows, vout_hbm.at[pl.ds(base, b_per_w)])
        pltpu.sync_copy(srows, sout_hbm.at[pl.ds(base, b_per_w)])

    return k(view_ids, side_ids, view_embed, side_embed)


def _tc_body(tokens_ref, vrow_ref, srow_ref, out_ref):
    L = tokens_ref.shape[0] // _B_BLK
    for j in range(_B_BLK):
        sl = pl.ds(j * L, L)
        out_ref[sl, :] = tokens_ref[sl, :] + (
            vrow_ref[j : j + 1, :] + srow_ref[j : j + 1, :]
        )


def kernel(tokens, view_ids, side_ids, view_embed, side_embed):
    B, L, D = tokens.shape
    vrow, srow = _gather_sc(
        view_ids.astype(jnp.int32), side_ids.astype(jnp.int32), view_embed, side_embed
    )
    tokens2 = tokens.reshape(B * L, D)
    rows_blk = _B_BLK * L
    out2 = pl.pallas_call(
        _tc_body,
        grid=(B // _B_BLK,),
        in_specs=[
            pl.BlockSpec((rows_blk, D), lambda i: (i, 0)),
            pl.BlockSpec((_B_BLK, D), lambda i: (i, 0)),
            pl.BlockSpec((_B_BLK, D), lambda i: (i, 0)),
        ],
        out_specs=pl.BlockSpec((rows_blk, D), lambda i: (i, 0)),
        out_shape=jax.ShapeDtypeStruct((B * L, D), tokens.dtype),
    )(tokens2, vrow, srow)
    return out2.reshape(B, L, D)

# --- scband reference (transcript-rebuilt; emitter-appended) ---
"""Pipeline reference for scband-view-side-embedding-32452772888883 (READ-ONLY COPY).

The authoritative reference and input builder live on the scoring server;
editing this copy changes nothing except your own understanding.
"""

import jax, jax.numpy as jnp
import numpy as np


def setup_inputs(seed: int = 0) -> dict:
    key = jax.random.key(seed)
    k1, k2, k3, k4, k5 = jax.random.split(key, 5)
    tokens = jax.random.normal(k1, (4096, 200, 128), dtype=jnp.float32)
    view_ids = jax.random.randint(k2, (4096,), 0, 2, dtype=jnp.int64 if jax.config.jax_enable_x64 else jnp.int32)
    side_ids = jax.random.randint(k3, (4096,), 0, 2, dtype=jnp.int64 if jax.config.jax_enable_x64 else jnp.int32)
    view_embed = jax.random.normal(k4, (2, 128), dtype=jnp.float32)
    side_embed = jax.random.normal(k5, (2, 128), dtype=jnp.float32)
    return {"tokens": tokens, "view_ids": view_ids, "side_ids": side_ids, "view_embed": view_embed, "side_embed": side_embed}


def reference(tokens, view_ids, side_ids, view_embed, side_embed):
    # geom = view_embed(view_ids) + side_embed(side_ids)  -> [B, D]
    geom = jnp.take(view_embed, view_ids, axis=0) + jnp.take(side_embed, side_ids, axis=0)
    # tokens + geom.unsqueeze(1)  -> [B, L, D]
    return tokens + geom[:, None, :]

if __name__ == "__main__":
    import jax
    _d = setup_inputs()
    print(jax.jit(kernel)(*tuple(_d.values())))

</pallas_src>

<mosaic_0001>
#map = affine_map<(d0, d1) -> (0)>
#map1 = affine_map<(d0, d1) -> (0, 0)>
module attributes {stable_mosaic.version = 14 : i64} {
  func.func @k(%arg0: i32, %arg1: i32, %arg2: memref<4096xi32, #tpu.memory_space<hbm>>, %arg3: memref<4096xi32, #tpu.memory_space<hbm>>, %arg4: memref<2x128xf32, #tpu.memory_space<hbm>>, %arg5: memref<2x128xf32, #tpu.memory_space<hbm>>, %arg6: memref<4096x128xf32, #tpu.memory_space<hbm>>, %arg7: memref<4096x128xf32, #tpu.memory_space<hbm>>, %arg8: memref<128xi32, #tpu.memory_space<vmem>>, %arg9: memref<128xi32, #tpu.memory_space<vmem>>, %arg10: memref<128x128xf32, #tpu.memory_space<vmem>>, %arg11: memref<128x128xf32, #tpu.memory_space<vmem>>, %arg12: memref<!tpu.dma_semaphore, #tpu.memory_space<semaphore_mem>>, %arg13: memref<!tpu.dma_semaphore, #tpu.memory_space<semaphore_mem>>) attributes {dimension_semantics = [#tpu.dimension_semantics<core_parallel>, #tpu.dimension_semantics<subcore_parallel>], iteration_bounds = array<i64: 2, 16>, scalar_prefetch = 0 : i64, scratch_operands = 6 : i64, tpu.core_type = #tpu.core_type<sc_vector_subcore>, window_params = [{transform_indices = #map}, {transform_indices = #map}, {transform_indices = #map1}, {transform_indices = #map1}, {transform_indices = #map1}, {transform_indices = #map1}]} {
    %mul3A = arith.constant 2 : i32
    %mul3A_0 = arith.muli %arg1, %mul3A : i32
    %add3A = arith.addi %mul3A_0, %arg0 : i32
    %mul3A_1 = arith.constant 128 : i32
    %mul3A_2 = arith.muli %add3A, %mul3A_1 : i32
    "tpu.region"() ({
      %run_scoped3A = tpu.sem_alloc : memref<!tpu.dma_semaphore, #tpu.memory_space<semaphore_mem>>
      %dma_start3A_13 = tpu.memref_slice %arg2[%mul3A_2] : memref<4096xi32, #tpu.memory_space<hbm>> -> memref<128xi32, #tpu.memory_space<hbm>>
      %dma_start3A_14 = tpu.memref_slice %arg2[%mul3A_2] : memref<4096xi32, #tpu.memory_space<hbm>> -> memref<128xi32, #tpu.memory_space<hbm>>
      tpu.enqueue_dma source(%dma_start3A_14 : memref<128xi32, #tpu.memory_space<hbm>>) target(%arg8 : memref<128xi32, #tpu.memory_space<vmem>>) target_semaphore(%run_scoped3A : memref<!tpu.dma_semaphore, #tpu.memory_space<semaphore_mem>>)
      %dma_wait3A_15 = tpu.memref_slice %arg2[%mul3A_2] : memref<4096xi32, #tpu.memory_space<hbm>> -> memref<128xi32, #tpu.memory_space<hbm>>
      %dma_wait3A_16 = tpu.memref_slice %arg2[%mul3A_2] : memref<4096xi32, #tpu.memory_space<hbm>> -> memref<128xi32, #tpu.memory_space<hbm>>
      tpu.wait_dma2 semaphore(%run_scoped3A : memref<!tpu.dma_semaphore, #tpu.memory_space<semaphore_mem>>) src(%dma_wait3A_16 : memref<128xi32, #tpu.memory_space<hbm>>) dst(%arg8 : memref<128xi32, #tpu.memory_space<vmem>>)
      tpu.yield
    }) : () -> ()
    "tpu.region"() ({
      %run_scoped3A = tpu.sem_alloc : memref<!tpu.dma_semaphore, #tpu.memory_space<semaphore_mem>>
      %dma_start3A_13 = tpu.memref_slice %arg3[%mul3A_2] : memref<4096xi32, #tpu.memory_space<hbm>> -> memref<128xi32, #tpu.memory_space<hbm>>
      %dma_start3A_14 = tpu.memref_slice %arg3[%mul3A_2] : memref<4096xi32, #tpu.memory_space<hbm>> -> memref<128xi32, #tpu.memory_space<hbm>>
      tpu.enqueue_dma source(%dma_start3A_14 : memref<128xi32, #tpu.memory_space<hbm>>) target(%arg9 : memref<128xi32, #tpu.memory_space<vmem>>) target_semaphore(%run_scoped3A : memref<!tpu.dma_semaphore, #tpu.memory_space<semaphore_mem>>)
      %dma_wait3A_15 = tpu.memref_slice %arg3[%mul3A_2] : memref<4096xi32, #tpu.memory_space<hbm>> -> memref<128xi32, #tpu.memory_space<hbm>>
      %dma_wait3A_16 = tpu.memref_slice %arg3[%mul3A_2] : memref<4096xi32, #tpu.memory_space<hbm>> -> memref<128xi32, #tpu.memory_space<hbm>>
      tpu.wait_dma2 semaphore(%run_scoped3A : memref<!tpu.dma_semaphore, #tpu.memory_space<semaphore_mem>>) src(%dma_wait3A_16 : memref<128xi32, #tpu.memory_space<hbm>>) dst(%arg9 : memref<128xi32, #tpu.memory_space<vmem>>)
      tpu.yield
    }) : () -> ()
    %dma_start3A = arith.constant 0 : i32
    %dma_start3A_3 = arith.constant 0 : i32
    %dma_start3A_4 = tpu.memref_slice %arg4[%dma_start3A, %dma_start3A_3] : memref<2x128xf32, #tpu.memory_space<hbm>> -> memref<2x128xf32, #tpu.memory_space<hbm>>
    tpu.enqueue_indirect_dma source(%dma_start3A_4 : memref<2x128xf32, #tpu.memory_space<hbm>>) target(%arg10 : memref<128x128xf32, #tpu.memory_space<vmem>>) offsets(%arg8 : memref<128xi32, #tpu.memory_space<vmem>>) semaphore(%arg12 : memref<!tpu.dma_semaphore, #tpu.memory_space<semaphore_mem>>)
    %dma_start3A_5 = arith.constant 0 : i32
    %dma_start3A_6 = arith.constant 0 : i32
    %dma_start3A_7 = tpu.memref_slice %arg5[%dma_start3A_5, %dma_start3A_6] : memref<2x128xf32, #tpu.memory_space<hbm>> -> memref<2x128xf32, #tpu.memory_space<hbm>>
    tpu.enqueue_indirect_dma source(%dma_start3A_7 : memref<2x128xf32, #tpu.memory_space<hbm>>) target(%arg11 : memref<128x128xf32, #tpu.memory_space<vmem>>) offsets(%arg9 : memref<128xi32, #tpu.memory_space<vmem>>) semaphore(%arg13 : memref<!tpu.dma_semaphore, #tpu.memory_space<semaphore_mem>>)
    %dma_wait3A = arith.constant 0 : i32
    %dma_wait3A_8 = arith.constant 0 : i32
    %dma_wait3A_9 = tpu.memref_slice %arg4[%dma_wait3A, %dma_wait3A_8] : memref<2x128xf32, #tpu.memory_space<hbm>> -> memref<2x128xf32, #tpu.memory_space<hbm>>
    tpu.wait_indirect_dma semaphore(%arg12 : memref<!tpu.dma_semaphore, #tpu.memory_space<semaphore_mem>>) src(%dma_wait3A_9 : memref<2x128xf32, #tpu.memory_space<hbm>>) dst(%arg10 : memref<128x128xf32, #tpu.memory_space<vmem>>)
    %dma_wait3A_10 = arith.constant 0 : i32
    %dma_wait3A_11 = arith.constant 0 : i32
    %dma_wait3A_12 = tpu.memref_slice %arg5[%dma_wait3A_10, %dma_wait3A_11] : memref<2x128xf32, #tpu.memory_space<hbm>> -> memref<2x128xf32, #tpu.memory_space<hbm>>
    tpu.wait_indirect_dma semaphore(%arg13 : memref<!tpu.dma_semaphore, #tpu.memory_space<semaphore_mem>>) src(%dma_wait3A_12 : memref<2x128xf32, #tpu.memory_space<hbm>>) dst(%arg11 : memref<128x128xf32, #tpu.memory_space<vmem>>)
    "tpu.region"() ({
      %run_scoped3A = tpu.sem_alloc : memref<!tpu.dma_semaphore, #tpu.memory_space<semaphore_mem>>
      %dma_start3A_13 = arith.constant 0 : i32
      %dma_start3A_14 = tpu.memref_slice %arg6[%mul3A_2, %dma_start3A_13] : memref<4096x128xf32, #tpu.memory_space<hbm>> -> memref<128x128xf32, #tpu.memory_space<hbm>>
      %dma_start3A_15 = arith.constant 0 : i32
      %dma_start3A_16 = tpu.memref_slice %arg6[%mul3A_2, %dma_start3A_15] : memref<4096x128xf32, #tpu.memory_space<hbm>> -> memref<128x128xf32, #tpu.memory_space<hbm>>
      tpu.enqueue_dma source(%arg10 : memref<128x128xf32, #tpu.memory_space<vmem>>) target(%dma_start3A_16 : memref<128x128xf32, #tpu.memory_space<hbm>>) target_semaphore(%run_scoped3A : memref<!tpu.dma_semaphore, #tpu.memory_space<semaphore_mem>>)
      %dma_wait3A_17 = arith.constant 0 : i32
      %dma_wait3A_18 = tpu.memref_slice %arg6[%mul3A_2, %dma_wait3A_17] : memref<4096x128xf32, #tpu.memory_space<hbm>> -> memref<128x128xf32, #tpu.memory_space<hbm>>
      %dma_wait3A_19 = arith.constant 0 : i32
      %dma_wait3A_20 = tpu.memref_slice %arg6[%mul3A_2, %dma_wait3A_19] : memref<4096x128xf32, #tpu.memory_space<hbm>> -> memref<128x128xf32, #tpu.memory_space<hbm>>
      tpu.wait_dma2 semaphore(%run_scoped3A : memref<!tpu.dma_semaphore, #tpu.memory_space<semaphore_mem>>) src(%arg10 : memref<128x128xf32, #tpu.memory_space<vmem>>) dst(%dma_wait3A_20 : memref<128x128xf32, #tpu.memory_space<hbm>>)
      tpu.yield
    }) : () -> ()
    "tpu.region"() ({
      %run_scoped3A = tpu.sem_alloc : memref<!tpu.dma_semaphore, #tpu.memory_space<semaphore_mem>>
      %dma_start3A_13 = arith.constant 0 : i32
      %dma_start3A_14 = tpu.memref_slice %arg7[%mul3A_2, %dma_start3A_13] : memref<4096x128xf32, #tpu.memory_space<hbm>> -> memref<128x128xf32, #tpu.memory_space<hbm>>
      %dma_start3A_15 = arith.constant 0 : i32
      %dma_start3A_16 = tpu.memref_slice %arg7[%mul3A_2, %dma_start3A_15] : memref<4096x128xf32, #tpu.memory_space<hbm>> -> memref<128x128xf32, #tpu.memory_space<hbm>>
      tpu.enqueue_dma source(%arg11 : memref<128x128xf32, #tpu.memory_space<vmem>>) target(%dma_start3A_16 : memref<128x128xf32, #tpu.memory_space<hbm>>) target_semaphore(%run_scoped3A : memref<!tpu.dma_semaphore, #tpu.memory_space<semaphore_mem>>)
      %dma_wait3A_17 = arith.constant 0 : i32
      %dma_wait3A_18 = tpu.memref_slice %arg7[%mul3A_2, %dma_wait3A_17] : memref<4096x128xf32, #tpu.memory_space<hbm>> -> memref<128x128xf32, #tpu.memory_space<hbm>>
      %dma_wait3A_19 = arith.constant 0 : i32
      %dma_wait3A_20 = tpu.memref_slice %arg7[%mul3A_2, %dma_wait3A_19] : memref<4096x128xf32, #tpu.memory_space<hbm>> -> memref<128x128xf32, #tpu.memory_space<hbm>>
      tpu.wait_dma2 semaphore(%run_scoped3A : memref<!tpu.dma_semaphore, #tpu.memory_space<semaphore_mem>>) src(%arg11 : memref<128x128xf32, #tpu.memory_space<vmem>>) dst(%dma_wait3A_20 : memref<128x128xf32, #tpu.memory_space<hbm>>)
      tpu.yield
    }) : () -> ()
    return
  }
}

module attributes {stable_mosaic.version = 14 : i64} {
  func.func @_tc_body(%arg0: i32, %arg1: memref<6400x128xf32, #tpu.memory_space<vmem>>, %arg2: memref<32x128xf32, #tpu.memory_space<vmem>>, %arg3: memref<32x128xf32, #tpu.memory_space<vmem>>, %arg4: memref<6400x128xf32, #tpu.memory_space<vmem>>) attributes {dimension_semantics = [#tpu.dimension_semantics<arbitrary>], iteration_bounds = array<i64: 128>, scalar_prefetch = 0 : i64, scratch_operands = 0 : i64, tpu.core_type = #tpu.core_type<tc>, window_params = [{transform_indices = @transform_0, window_bounds = array<i64: 6400, 128>}, {transform_indices = @transform_1, window_bounds = array<i64: 32, 128>}, {transform_indices = @transform_2, window_bounds = array<i64: 32, 128>}, {transform_indices = @transform_3, window_bounds = array<i64: 6400, 128>}]} {
    %get3A = arith.constant 0 : index
    %get3A_0 = arith.constant 0 : index
    %get3A_1 = vector.load %arg1[%get3A, %get3A_0] : memref<6400x128xf32, #tpu.memory_space<vmem>>, vector<200x128xf32>
    %get3A_2 = arith.constant 0 : index
    %get3A_3 = arith.constant 0 : index
    %get3A_4 = vector.load %arg2[%get3A_2, %get3A_3] : memref<32x128xf32, #tpu.memory_space<vmem>>, vector<1x128xf32>
    %get3A_5 = arith.constant 0 : index
    %get3A_6 = arith.constant 0 : index
    %get3A_7 = vector.load %arg3[%get3A_5, %get3A_6] : memref<32x128xf32, #tpu.memory_space<vmem>>, vector<1x128xf32>
    %add3A = arith.addf %get3A_4, %get3A_7 : vector<1x128xf32>
    %add3A_8 = vector.broadcast %add3A : vector<1x128xf32> to vector<200x128xf32>
    %add3A_9 = arith.addf %get3A_1, %add3A_8 : vector<200x128xf32>
    %swap3A = arith.constant 0 : index
    %swap3A_10 = arith.constant 0 : index
    %swap3A_11 = vector.load %arg4[%swap3A, %swap3A_10] : memref<6400x128xf32, #tpu.memory_space<vmem>>, vector<200x128xf32>
    tpu.vector_store %arg4[%swap3A, %swap3A_10], %add3A_9 {strides = array<i32>} : memref<6400x128xf32, #tpu.memory_space<vmem>>, vector<200x128xf32>,
    %get3A_12 = arith.constant 200 : index
    %get3A_13 = arith.constant 0 : index
    %get3A_14 = vector.load %arg1[%get3A_12, %get3A_13] : memref<6400x128xf32, #tpu.memory_space<vmem>>, vector<200x128xf32>
    %get3A_15 = arith.constant 1 : index
    %get3A_16 = arith.constant 0 : index
    %get3A_17 = vector.load %arg2[%get3A_15, %get3A_16] : memref<32x128xf32, #tpu.memory_space<vmem>>, vector<1x128xf32>
    %get3A_18 = arith.constant 1 : index
    %get3A_19 = arith.constant 0 : index
    %get3A_20 = vector.load %arg3[%get3A_18, %get3A_19] : memref<32x128xf32, #tpu.memory_space<vmem>>, vector<1x128xf32>
    %add3A_21 = arith.addf %get3A_17, %get3A_20 : vector<1x128xf32>
    %add3A_22 = vector.broadcast %add3A_21 : vector<1x128xf32> to vector<200x128xf32>
    %add3A_23 = arith.addf %get3A_14, %add3A_22 : vector<200x128xf32>
    %swap3A_24 = arith.constant 200 : index
    %swap3A_25 = arith.constant 0 : index
    %swap3A_26 = vector.load %arg4[%swap3A_24, %swap3A_25] : memref<6400x128xf32, #tpu.memory_space<vmem>>, vector<200x128xf32>
    tpu.vector_store %arg4[%swap3A_24, %swap3A_25], %add3A_23 {strides = array<i32>} : memref<6400x128xf32, #tpu.memory_space<vmem>>, vector<200x128xf32>,
    %get3A_27 = arith.constant 400 : index
    %get3A_28 = arith.constant 0 : index
    %get3A_29 = vector.load %arg1[%get3A_27, %get3A_28] : memref<6400x128xf32, #tpu.memory_space<vmem>>, vector<200x128xf32>
    %get3A_30 = arith.constant 2 : index
    %get3A_31 = arith.constant 0 : index
    %get3A_32 = vector.load %arg2[%get3A_30, %get3A_31] : memref<32x128xf32, #tpu.memory_space<vmem>>, vector<1x128xf32>
    %get3A_33 = arith.constant 2 : index
    %get3A_34 = arith.constant 0 : index
    %get3A_35 = vector.load %arg3[%get3A_33, %get3A_34] : memref<32x128xf32, #tpu.memory_space<vmem>>, vector<1x128xf32>
    %add3A_36 = arith.addf %get3A_32, %get3A_35 : vector<1x128xf32>
    %add3A_37 = vector.broadcast %add3A_36 : vector<1x128xf32> to vector<200x128xf32>
    %add3A_38 = arith.addf %get3A_29, %add3A_37 : vector<200x128xf32>
    %swap3A_39 = arith.constant 400 : index
    %swap3A_40 = arith.constant 0 : index
    %swap3A_41 = vector.load %arg4[%swap3A_39, %swap3A_40] : memref<6400x128xf32, #tpu.memory_space<vmem>>, vector<200x128xf32>
    tpu.vector_store %arg4[%swap3A_39, %swap3A_40], %add3A_38 {strides = array<i32>} : memref<6400x128xf32, #tpu.memory_space<vmem>>, vector<200x128xf32>,
    %get3A_42 = arith.constant 600 : index
    %get3A_43 = arith.constant 0 : index
    %get3A_44 = vector.load %arg1[%get3A_42, %get3A_43] : memref<6400x128xf32, #tpu.memory_space<vmem>>, vector<200x128xf32>
    %get3A_45 = arith.constant 3 : index
    %get3A_46 = arith.constant 0 : index
    %get3A_47 = vector.load %arg2[%get3A_45, %get3A_46] : memref<32x128xf32, #tpu.memory_space<vmem>>, vector<1x128xf32>
    %get3A_48 = arith.constant 3 : index
    %get3A_49 = arith.constant 0 : index
    %get3A_50 = vector.load %arg3[%get3A_48, %get3A_49] : memref<32x128xf32, #tpu.memory_space<vmem>>, vector<1x128xf32>
    %add3A_51 = arith.addf %get3A_47, %get3A_50 : vector<1x128xf32>
    %add3A_52 = vector.broadcast %add3A_51 : vector<1x128xf32> to vector<200x128xf32>
    %add3A_53 = arith.addf %get3A_44, %add3A_52 : vector<200x128xf32>
    %swap3A_54 = arith.constant 600 : index
    %swap3A_55 = arith.constant 0 : index
    %swap3A_56 = vector.load %arg4[%swap3A_54, %swap3A_55] : memref<6400x128xf32, #tpu.memory_space<vmem>>, vector<200x128xf32>
    tpu.vector_store %arg4[%swap3A_54, %swap3A_55], %add3A_53 {strides = array<i32>} : memref<6400x128xf32, #tpu.memory_space<vmem>>, vector<200x128xf32>,
    %get3A_57 = arith.constant 800 : index
    %get3A_58 = arith.constant 0 : index
    %get3A_59 = vector.load %arg1[%get3A_57, %get3A_58] : memref<6400x128xf32, #tpu.memory_space<vmem>>, vector<200x128xf32>
    %get3A_60 = arith.constant 4 : index
    %get3A_61 = arith.constant 0 : index
    %get3A_62 = vector.load %arg2[%get3A_60, %get3A_61] : memref<32x128xf32, #tpu.memory_space<vmem>>, vector<1x128xf32>
    %get3A_63 = arith.constant 4 : index
    %get3A_64 = arith.constant 0 : index
    %get3A_65 = vector.load %arg3[%get3A_63, %get3A_64] : memref<32x128xf32, #tpu.memory_space<vmem>>, vector<1x128xf32>
    %add3A_66 = arith.addf %get3A_62, %get3A_65 : vector<1x128xf32>
    %add3A_67 = vector.broadcast %add3A_66 : vector<1x128xf32> to vector<200x128xf32>
    %add3A_68 = arith.addf %get3A_59, %add3A_67 : vector<200x128xf32>
    %swap3A_69 = arith.constant 800 : index
    %swap3A_70 = arith.constant 0 : index
    %swap3A_71 = vector.load %arg4[%swap3A_69, %swap3A_70] : memref<6400x128xf32, #tpu.memory_space<vmem>>, vector<200x128xf32>
    tpu.vector_store %arg4[%swap3A_69, %swap3A_70], %add3A_68 {strides = array<i32>} : memref<6400x128xf32, #tpu.memory_space<vmem>>, vector<200x128xf32>,
    %get3A_72 = arith.constant 1000 : index
    %get3A_73 = arith.constant 0 : index
    %get3A_74 = vector.load %arg1[%get3A_72, %get3A_73] : memref<6400x128xf32, #tpu.memory_space<vmem>>, vector<200x128xf32>
    %get3A_75 = arith.constant 5 : index
    %get3A_76 = arith.constant 0 : index
    %get3A_77 = vector.load %arg2[%get3A_75, %get3A_76] : memref<32x128xf32, #tpu.memory_space<vmem>>, vector<1x128xf32>
    %get3A_78 = arith.constant 5 : index
    %get3A_79 = arith.constant 0 : index
    %get3A_80 = vector.load %arg3[%get3A_78, %get3A_79] : memref<32x128xf32, #tpu.memory_space<vmem>>, vector<1x128xf32>
    %add3A_81 = arith.addf %get3A_77, %get3A_80 : vector<1x128xf32>
    %add3A_82 = vector.broadcast %add3A_81 : vector<1x128xf32> to vector<200x128xf32>
    %add3A_83 = arith.addf %get3A_74, %add3A_82 : vector<200x128xf32>
    %swap3A_84 = arith.constant 1000 : index
    %swap3A_85 = arith.constant 0 : index
    %swap3A_86 = vector.load %arg4[%swap3A_84, %swap3A_85] : memref<6400x128xf32, #tpu.memory_space<vmem>>, vector<200x128xf32>
    tpu.vector_store %arg4[%swap3A_84, %swap3A_85], %add3A_83 {strides = array<i32>} : memref<6400x128xf32, #tpu.memory_space<vmem>>, vector<200x128xf32>,
    %get3A_87 = arith.constant 1200 : index
    %get3A_88 = arith.constant 0 : index
    %get3A_89 = vector.load %arg1[%get3A_87, %get3A_88] : memref<6400x128xf32, #tpu.memory_space<vmem>>, vector<200x128xf32>
    %get3A_90 = arith.constant 6 : index
    %get3A_91 = arith.constant 0 : index
    %get3A_92 = vector.load %arg2[%get3A_90, %get3A_91] : memref<32x128xf32, #tpu.memory_space<vmem>>, vector<1x128xf32>
    %get3A_93 = arith.constant 6 : index
    %get3A_94 = arith.constant 0 : index
    %get3A_95 = vector.load %arg3[%get3A_93, %get3A_94] : memref<32x128xf32, #tpu.memory_space<vmem>>, vector<1x128xf32>
    %add3A_96 = arith.addf %get3A_92, %get3A_95 : vector<1x128xf32>
    %add3A_97 = vector.broadcast %add3A_96 : vector<1x128xf32> to vector<200x128xf32>
    %add3A_98 = arith.addf %get3A_89, %add3A_97 : vector<200x128xf32>
    %swap3A_99 = arith.constant 1200 : index
    %swap3A_100 = arith.constant 0 : index
    %swap3A_101 = vector.load %arg4[%swap3A_99, %swap3A_100] : memref<6400x128xf32, #tpu.memory_space<vmem>>, vector<200x128xf32>
    tpu.vector_store %arg4[%swap3A_99, %swap3A_100], %add3A_98 {strides = array<i32>} : memref<6400x128xf32, #tpu.memory_space<vmem>>, vector<200x128xf32>,
    %get3A_102 = arith.constant 1400 : index
    %get3A_103 = arith.constant 0 : index
    %get3A_104 = vector.load %arg1[%get3A_102, %get3A_103] : memref<6400x128xf32, #tpu.memory_space<vmem>>, vector<200x128xf32>
    %get3A_105 = arith.constant 7 : index
    %get3A_106 = arith.constant 0 : index
    %get3A_107 = vector.load %arg2[%get3A_105, %get3A_106] : memref<32x128xf32, #tpu.memory_space<vmem>>, vector<1x128xf32>
    %get3A_108 = arith.constant 7 : index
    %get3A_109 = arith.constant 0 : index
    %get3A_110 = vector.load %arg3[%get3A_108, %get3A_109] : memref<32x128xf32, #tpu.memory_space<vmem>>, vector<1x128xf32>
    %add3A_111 = arith.addf %get3A_107, %get3A_110 : vector<1x128xf32>
    %add3A_112 = vector.broadcast %add3A_111 : vector<1x128xf32> to vector<200x128xf32>
    %add3A_113 = arith.addf %get3A_104, %add3A_112 : vector<200x128xf32>
    %swap3A_114 = arith.constant 1400 : index
    %swap3A_115 = arith.constant 0 : index
    %swap3A_116 = vector.load %arg4[%swap3A_114, %swap3A_115] : memref<6400x128xf32, #tpu.memory_space<vmem>>, vector<200x128xf32>
    tpu.vector_store %arg4[%swap3A_114, %swap3A_115], %add3A_113 {strides = array<i32>} : memref<6400x128xf32, #tpu.memory_space<vmem>>, vector<200x128xf32>,
    %get3A_117 = arith.constant 1600 : index
    %get3A_118 = arith.constant 0 : index
    %get3A_119 = vector.load %arg1[%get3A_117, %get3A_118] : memref<6400x128xf32, #tpu.memory_space<vmem>>, vector<200x128xf32>
    %get3A_120 = arith.constant 8 : index
    %get3A_121 = arith.constant 0 : index
    %get3A_122 = vector.load %arg2[%get3A_120, %get3A_121] : memref<32x128xf32, #tpu.memory_space<vmem>>, vector<1x128xf32>
    %get3A_123 = arith.constant 8 : index
    %get3A_124 = arith.constant 0 : index
    %get3A_125 = vector.load %arg3[%get3A_123, %get3A_124] : memref<32x128xf32, #tpu.memory_space<vmem>>, vector<1x128xf32>
    %add3A_126 = arith.addf %get3A_122, %get3A_125 : vector<1x128xf32>
    %add3A_127 = vector.broadcast %add3A_126 : vector<1x128xf32> to vector<200x128xf32>
    %add3A_128 = arith.addf %get3A_119, %add3A_127 : vector<200x128xf32>
    %swap3A_129 = arith.constant 1600 : index
    %swap3A_130 = arith.constant 0 : index
    %swap3A_131 = vector.load %arg4[%swap3A_129, %swap3A_130] : memref<6400x128xf32, #tpu.memory_space<vmem>>, vector<200x128xf32>
    tpu.vector_store %arg4[%swap3A_129, %swap3A_130], %add3A_128 {strides = array<i32>} : memref<6400x128xf32, #tpu.memory_space<vmem>>, vector<200x128xf32>,
    %get3A_132 = arith.constant 1800 : index
    %get3A_133 = arith.constant 0 : index
    %get3A_134 = vector.load %arg1[%get3A_132, %get3A_133] : memref<6400x128xf32, #tpu.memory_space<vmem>>, vector<200x128xf32>
    %get3A_135 = arith.constant 9 : index
    %get3A_136 = arith.constant 0 : index
    %get3A_137 = vector.load %arg2[%get3A_135, %get3A_136] : memref<32x128xf32, #tpu.memory_space<vmem>>, vector<1x128xf32>
    %get3A_138 = arith.constant 9 : index
    %get3A_139 = arith.constant 0 : index
    %get3A_140 = vector.load %arg3[%get3A_138, %get3A_139] : memref<32x128xf32, #tpu.memory_space<vmem>>, vector<1x128xf32>
    %add3A_141 = arith.addf %get3A_137, %get3A_140 : vector<1x128xf32>
    %add3A_142 = vector.broadcast %add3A_141 : vector<1x128xf32> to vector<200x128xf32>
    %add3A_143 = arith.addf %get3A_134, %add3A_142 : vector<200x128xf32>
    %swap3A_144 = arith.constant 1800 : index
    %swap3A_145 = arith.constant 0 : index
    %swap3A_146 = vector.load %arg4[%swap3A_144, %swap3A_145] : memref<6400x128xf32, #tpu.memory_space<vmem>>, vector<200x128xf32>
    tpu.vector_store %arg4[%swap3A_144, %swap3A_145], %add3A_143 {strides = array<i32>} : memref<6400x128xf32, #tpu.memory_space<vmem>>, vector<200x128xf32>,
    %get3A_147 = arith.constant 2000 : index
    %get3A_148 = arith.constant 0 : index
    %get3A_149 = vector.load %arg1[%get3A_147, %get3A_148] : memref<6400x128xf32, #tpu.memory_space<vmem>>, vector<200x128xf32>
    %get3A_150 = arith.constant 10 : index
    %get3A_151 = arith.constant 0 : index
    %get3A_152 = vector.load %arg2[%get3A_150, %get3A_151] : memref<32x128xf32, #tpu.memory_space<vmem>>, vector<1x128xf32>
    %get3A_153 = arith.constant 10 : index
    %get3A_154 = arith.constant 0 : index
    %get3A_155 = vector.load %arg3[%get3A_153, %get3A_154] : memref<32x128xf32, #tpu.memory_space<vmem>>, vector<1x128xf32>
    %add3A_156 = arith.addf %get3A_152, %get3A_155 : vector<1x128xf32>
    %add3A_157 = vector.broadcast %add3A_156 : vector<1x128xf32> to vector<200x128xf32>
    %add3A_158 = arith.addf %get3A_149, %add3A_157 : vector<200x128xf32>
    %swap3A_159 = arith.constant 2000 : index
    %swap3A_160 = arith.constant 0 : index
    %swap3A_161 = vector.load %arg4[%swap3A_159, %swap3A_160] : memref<6400x128xf32, #tpu.memory_space<vmem>>, vector<200x128xf32>
    tpu.vector_store %arg4[%swap3A_159, %swap3A_160], %add3A_158 {strides = array<i32>} : memref<6400x128xf32, #tpu.memory_space<vmem>>, vector<200x128xf32>,
    %get3A_162 = arith.constant 2200 : index
    %get3A_163 = arith.constant 0 : index
    %get3A_164 = vector.load %arg1[%get3A_162, %get3A_163] : memref<6400x128xf32, #tpu.memory_space<vmem>>, vector<200x128xf32>
    %get3A_165 = arith.constant 11 : index
    %get3A_166 = arith.constant 0 : index
    %get3A_167 = vector.load %arg2[%get3A_165, %get3A_166] : memref<32x128xf32, #tpu.memory_space<vmem>>, vector<1x128xf32>
    %get3A_168 = arith.constant 11 : index
    %get3A_169 = arith.constant 0 : index
    %get3A_170 = vector.load %arg3[%get3A_168, %get3A_169] : memref<32x128xf32, #tpu.memory_space<vmem>>, vector<1x128xf32>
    %add3A_171 = arith.addf %get3A_167, %get3A_170 : vector<1x128xf32>
    %add3A_172 = vector.broadcast %add3A_171 : vector<1x128xf32> to vector<200x128xf32>
    %add3A_173 = arith.addf %get3A_164, %add3A_172 : vector<200x128xf32>
    %swap3A_174 = arith.constant 2200 : index
    %swap3A_175 = arith.constant 0 : index
    %swap3A_176 = vector.load %arg4[%swap3A_174, %swap3A_175] : memref<6400x128xf32, #tpu.memory_space<vmem>>, vector<200x128xf32>
    tpu.vector_store %arg4[%swap3A_174, %swap3A_175], %add3A_173 {strides = array<i32>} : memref<6400x128xf32, #tpu.memory_space<vmem>>, vector<200x128xf32>,
    %get3A_177 = arith.constant 2400 : index
    %get3A_178 = arith.constant 0 : index
    %get3A_179 = vector.load %arg1[%get3A_177, %get3A_178] : memref<6400x128xf32, #tpu.memory_space<vmem>>, vector<200x128xf32>
    %get3A_180 = arith.constant 12 : index
    %get3A_181 = arith.constant 0 : index
    %get3A_182 = vector.load %arg2[%get3A_180, %get3A_181] : memref<32x128xf32, #tpu.memory_space<vmem>>, vector<1x128xf32>
    %get3A_183 = arith.constant 12 : index
    %get3A_184 = arith.constant 0 : index
    %get3A_185 = vector.load %arg3[%get3A_183, %get3A_184] : memref<32x128xf32, #tpu.memory_space<vmem>>, vector<1x128xf32>
    %add3A_186 = arith.addf %get3A_182, %get3A_185 : vector<1x128xf32>
    %add3A_187 = vector.broadcast %add3A_186 : vector<1x128xf32> to vector<200x128xf32>
    %add3A_188 = arith.addf %get3A_179, %add3A_187 : vector<200x128xf32>
    %swap3A_189 = arith.constant 2400 : index
    %swap3A_190 = arith.constant 0 : index
    %swap3A_191 = vector.load %arg4[%swap3A_189, %swap3A_190] : memref<6400x128xf32, #tpu.memory_space<vmem>>, vector<200x128xf32>
    tpu.vector_store %arg4[%swap3A_189, %swap3A_190], %add3A_188 {strides = array<i32>} : memref<6400x128xf32, #tpu.memory_space<vmem>>, vector<200x128xf32>,
    %get3A_192 = arith.constant 2600 : index
    %get3A_193 = arith.constant 0 : index
    %get3A_194 = vector.load %arg1[%get3A_192, %get3A_193] : memref<6400x128xf32, #tpu.memory_space<vmem>>, vector<200x128xf32>
    %get3A_195 = arith.constant 13 : index
    %get3A_196 = arith.constant 0 : index
    %get3A_197 = vector.load %arg2[%get3A_195, %get3A_196] : memref<32x128xf32, #tpu.memory_space<vmem>>, vector<1x128xf32>
    %get3A_198 = arith.constant 13 : index
    %get3A_199 = arith.constant 0 : index
    %get3A_200 = vector.load %arg3[%get3A_198, %get3A_199] : memref<32x128xf32, #tpu.memory_space<vmem>>, vector<1x128xf32>
    %add3A_201 = arith.addf %get3A_197, %get3A_200 : vector<1x128xf32>
    %add3A_202 = vector.broadcast %add3A_201 : vector<1x128xf32> to vector<200x128xf32>
    %add3A_203 = arith.addf %get3A_194, %add3A_202 : vector<200x128xf32>
    %swap3A_204 = arith.constant 2600 : index
    %swap3A_205 = arith.constant 0 : index
    %swap3A_206 = vector.load %arg4[%swap3A_204, %swap3A_205] : memref<6400x128xf32, #tpu.memory_space<vmem>>, vector<200x128xf32>
    tpu.vector_store %arg4[%swap3A_204, %swap3A_205], %add3A_203 {strides = array<i32>} : memref<6400x128xf32, #tpu.memory_space<vmem>>, vector<200x128xf32>,
    %get3A_207 = arith.constant 2800 : index
    %get3A_208 = arith.constant 0 : index
    %get3A_209 = vector.load %arg1[%get3A_207, %get3A_208] : memref<6400x128xf32, #tpu.memory_space<vmem>>, vector<200x128xf32>
    %get3A_210 = arith.constant 14 : index
    %get3A_211 = arith.constant 0 : index
    %get3A_212 = vector.load %arg2[%get3A_210, %get3A_211] : memref<32x128xf32, #tpu.memory_space<vmem>>, vector<1x128xf32>
    %get3A_213 = arith.constant 14 : index
    %get3A_214 = arith.constant 0 : index
    %get3A_215 = vector.load %arg3[%get3A_213, %get3A_214] : memref<32x128xf32, #tpu.memory_space<vmem>>, vector<1x128xf32>
    %add3A_216 = arith.addf %get3A_212, %get3A_215 : vector<1x128xf32>
    %add3A_217 = vector.broadcast %add3A_216 : vector<1x128xf32> to vector<200x128xf32>
    %add3A_218 = arith.addf %get3A_209, %add3A_217 : vector<200x128xf32>
    %swap3A_219 = arith.constant 2800 : index
    %swap3A_220 = arith.constant 0 : index
    %swap3A_221 = vector.load %arg4[%swap3A_219, %swap3A_220] : memref<6400x128xf32, #tpu.memory_space<vmem>>, vector<200x128xf32>
    tpu.vector_store %arg4[%swap3A_219, %swap3A_220], %add3A_218 {strides = array<i32>} : memref<6400x128xf32, #tpu.memory_space<vmem>>, vector<200x128xf32>,
    %get3A_222 = arith.constant 3000 : index
    %get3A_223 = arith.constant 0 : index
    %get3A_224 = vector.load %arg1[%get3A_222, %get3A_223] : memref<6400x128xf32, #tpu.memory_space<vmem>>, vector<200x128xf32>
    %get3A_225 = arith.constant 15 : index
    %get3A_226 = arith.constant 0 : index
    %get3A_227 = vector.load %arg2[%get3A_225, %get3A_226] : memref<32x128xf32, #tpu.memory_space<vmem>>, vector<1x128xf32>
    %get3A_228 = arith.constant 15 : index
    %get3A_229 = arith.constant 0 : index
    %get3A_230 = vector.load %arg3[%get3A_228, %get3A_229] : memref<32x128xf32, #tpu.memory_space<vmem>>, vector<1x128xf32>
    %add3A_231 = arith.addf %get3A_227, %get3A_230 : vector<1x128xf32>
    %add3A_232 = vector.broadcast %add3A_231 : vector<1x128xf32> to vector<200x128xf32>
    %add3A_233 = arith.addf %get3A_224, %add3A_232 : vector<200x128xf32>
    %swap3A_234 = arith.constant 3000 : index
    %swap3A_235 = arith.constant 0 : index
    %swap3A_236 = vector.load %arg4[%swap3A_234, %swap3A_235] : memref<6400x128xf32, #tpu.memory_space<vmem>>, vector<200x128xf32>
    tpu.vector_store %arg4[%swap3A_234, %swap3A_235], %add3A_233 {strides = array<i32>} : memref<6400x128xf32, #tpu.memory_space<vmem>>, vector<200x128xf32>,
    %get3A_237 = arith.constant 3200 : index
    %get3A_238 = arith.constant 0 : index
    %get3A_239 = vector.load %arg1[%get3A_237, %get3A_238] : memref<6400x128xf32, #tpu.memory_space<vmem>>, vector<200x128xf32>
    %get3A_240 = arith.constant 16 : index
    %get3A_241 = arith.constant 0 : index
    %get3A_242 = vector.load %arg2[%get3A_240, %get3A_241] : memref<32x128xf32, #tpu.memory_space<vmem>>, vector<1x128xf32>
    %get3A_243 = arith.constant 16 : index
    %get3A_244 = arith.constant 0 : index
    %get3A_245 = vector.load %arg3[%get3A_243, %get3A_244] : memref<32x128xf32, #tpu.memory_space<vmem>>, vector<1x128xf32>
    %add3A_246 = arith.addf %get3A_242, %get3A_245 : vector<1x128xf32>
    %add3A_247 = vector.broadcast %add3A_246 : vector<1x128xf32> to vector<200x128xf32>
    %add3A_248 = arith.addf %get3A_239, %add3A_247 : vector<200x128xf32>
    %swap3A_249 = arith.constant 3200 : index
    %swap3A_250 = arith.constant 0 : index
    %swap3A_251 = vector.load %arg4[%swap3A_249, %swap3A_250] : memref<6400x128xf32, #tpu.memory_space<vmem>>, vector<200x128xf32>
    tpu.vector_store %arg4[%swap3A_249, %swap3A_250], %add3A_248 {strides = array<i32>} : memref<6400x128xf32, #tpu.memory_space<vmem>>, vector<200x128xf32>,
    %get3A_252 = arith.constant 3400 : index
    %get3A_253 = arith.constant 0 : index
    %get3A_254 = vector.load %arg1[%get3A_252, %get3A_253] : memref<6400x128xf32, #tpu.memory_space<vmem>>, vector<200x128xf32>
    %get3A_255 = arith.constant 17 : index
    %get3A_256 = arith.constant 0 : index
    %get3A_257 = vector.load %arg2[%get3A_255, %get3A_256] : memref<32x128xf32, #tpu.memory_space<vmem>>, vector<1x128xf32>
    %get3A_258 = arith.constant 17 : index
    %get3A_259 = arith.constant 0 : index
    %get3A_260 = vector.load %arg3[%get3A_258, %get3A_259] : memref<32x128xf32, #tpu.memory_space<vmem>>, vector<1x128xf32>
    %add3A_261 = arith.addf %get3A_257, %get3A_260 : vector<1x128xf32>
    %add3A_262 = vector.broadcast %add3A_261 : vector<1x128xf32> to vector<200x128xf32>
    %add3A_263 = arith.addf %get3A_254, %add3A_262 : vector<200x128xf32>
    %swap3A_264 = arith.constant 3400 : index
    %swap3A_265 = arith.constant 0 : index
    %swap3A_266 = vector.load %arg4[%swap3A_264, %swap3A_265] : memref<6400x128xf32, #tpu.memory_space<vmem>>, vector<200x128xf32>
    tpu.vector_store %arg4[%swap3A_264, %swap3A_265], %add3A_263 {strides = array<i32>} : memref<6400x128xf32, #tpu.memory_space<vmem>>, vector<200x128xf32>,
    %get3A_267 = arith.constant 3600 : index
    %get3A_268 = arith.constant 0 : index
    %get3A_269 = vector.load %arg1[%get3A_267, %get3A_268] : memref<6400x128xf32, #tpu.memory_space<vmem>>, vector<200x128xf32>
    %get3A_270 = arith.constant 18 : index
    %get3A_271 = arith.constant 0 : index
    %get3A_272 = vector.load %arg2[%get3A_270, %get3A_271] : memref<32x128xf32, #tpu.memory_space<vmem>>, vector<1x128xf32>
    %get3A_273 = arith.constant 18 : index
    %get3A_274 = arith.constant 0 : index
    %get3A_275 = vector.load %arg3[%get3A_273, %get3A_274] : memref<32x128xf32, #tpu.memory_space<vmem>>, vector<1x128xf32>
    %add3A_276 = arith.addf %get3A_272, %get3A_275 : vector<1x128xf32>
    %add3A_277 = vector.broadcast %add3A_276 : vector<1x128xf32> to vector<200x128xf32>
    %add3A_278 = arith.addf %get3A_269, %add3A_277 : vector<200x128xf32>
    %swap3A_279 = arith.constant 3600 : index
    %swap3A_280 = arith.constant 0 : index
    %swap3A_281 = vector.load %arg4[%swap3A_279, %swap3A_280] : memref<6400x128xf32, #tpu.memory_space<vmem>>, vector<200x128xf32>
    tpu.vector_store %arg4[%swap3A_279, %swap3A_280], %add3A_278 {strides = array<i32>} : memref<6400x128xf32, #tpu.memory_space<vmem>>, vector<200x128xf32>,
    %get3A_282 = arith.constant 3800 : index
    %get3A_283 = arith.constant 0 : index
    %get3A_284 = vector.load %arg1[%get3A_282, %get3A_283] : memref<6400x128xf32, #tpu.memory_space<vmem>>, vector<200x128xf32>
    %get3A_285 = arith.constant 19 : index
    %get3A_286 = arith.constant 0 : index
    %get3A_287 = vector.load %arg2[%get3A_285, %get3A_286] : memref<32x128xf32, #tpu.memory_space<vmem>>, vector<1x128xf32>
    %get3A_288 = arith.constant 19 : index
    %get3A_289 = arith.constant 0 : index
    %get3A_290 = vector.load %arg3[%get3A_288, %get3A_289] : memref<32x128xf32, #tpu.memory_space<vmem>>, vector<1x128xf32>
    %add3A_291 = arith.addf %get3A_287, %get3A_290 : vector<1x128xf32>
    %add3A_292 = vector.broadcast %add3A_291 : vector<1x128xf32> to vector<200x128xf32>
    %add3A_293 = arith.addf %get3A_284, %add3A_292 : vector<200x128xf32>
    %swap3A_294 = arith.constant 3800 : index
    %swap3A_295 = arith.constant 0 : index
    %swap3A_296 = vector.load %arg4[%swap3A_294, %swap3A_295] : memref<6400x128xf32, #tpu.memory_space<vmem>>, vector<200x128xf32>
    tpu.vector_store %arg4[%swap3A_294, %swap3A_295], %add3A_293 {strides = array<i32>} : memref<6400x128xf32, #tpu.memory_space<vmem>>, vector<200x128xf32>,
    %get3A_297 = arith.constant 4000 : index
    %get3A_298 = arith.constant 0 : index
    %get3A_299 = vector.load %arg1[%get3A_297, %get3A_298] : memref<6400x128xf32, #tpu.memory_space<vmem>>, vector<200x128xf32>
    %get3A_300 = arith.constant 20 : index
    %get3A_301 = arith.constant 0 : index
    %get3A_302 = vector.load %arg2[%get3A_300, %get3A_301] : memref<32x128xf32, #tpu.memory_space<vmem>>, vector<1x128xf32>
    %get3A_303 = arith.constant 20 : index
    %get3A_304 = arith.constant 0 : index
    %get3A_305 = vector.load %arg3[%get3A_303, %get3A_304] : memref<32x128xf32, #tpu.memory_space<vmem>>, vector<1x128xf32>
    %add3A_306 = arith.addf %get3A_302, %get3A_305 : vector<1x128xf32>
    %add3A_307 = vector.broadcast %add3A_306 : vector<1x128xf32> to vector<200x128xf32>
    %add3A_308 = arith.addf %get3A_299, %add3A_307 : vector<200x128xf32>
    %swap3A_309 = arith.constant 4000 : index
    %swap3A_310 = arith.constant 0 : index
    %swap3A_311 = vector.load %arg4[%swap3A_309, %swap3A_310] : memref<6400x128xf32, #tpu.memory_space<vmem>>, vector<200x128xf32>
    tpu.vector_store %arg4[%swap3A_309, %swap3A_310], %add3A_308 {strides = array<i32>} : memref<6400x128xf32, #tpu.memory_space<vmem>>, vector<200x128xf32>,
    %get3A_312 = arith.constant 4200 : index
    %get3A_313 = arith.constant 0 : index
    %get3A_314 = vector.load %arg1[%get3A_312, %get3A_313] : memref<6400x128xf32, #tpu.memory_space<vmem>>, vector<200x128xf32>
    %get3A_315 = arith.constant 21 : index
    %get3A_316 = arith.constant 0 : index
    %get3A_317 = vector.load %arg2[%get3A_315, %get3A_316] : memref<32x128xf32, #tpu.memory_space<vmem>>, vector<1x128xf32>
    %get3A_318 = arith.constant 21 : index
    %get3A_319 = arith.constant 0 : index
    %get3A_320 = vector.load %arg3[%get3A_318, %get3A_319] : memref<32x128xf32, #tpu.memory_space<vmem>>, vector<1x128xf32>
    %add3A_321 = arith.addf %get3A_317, %get3A_320 : vector<1x128xf32>
    %add3A_322 = vector.broadcast %add3A_321 : vector<1x128xf32> to vector<200x128xf32>
    %add3A_323 = arith.addf %get3A_314, %add3A_322 : vector<200x128xf32>
    %swap3A_324 = arith.constant 4200 : index
    %swap3A_325 = arith.constant 0 : index
    %swap3A_326 = vector.load %arg4[%swap3A_324, %swap3A_325] : memref<6400x128xf32, #tpu.memory_space<vmem>>, vector<200x128xf32>
    tpu.vector_store %arg4[%swap3A_324, %swap3A_325], %add3A_323 {strides = array<i32>} : memref<6400x128xf32, #tpu.memory_space<vmem>>, vector<200x128xf32>,
    %get3A_327 = arith.constant 4400 : index
    %get3A_328 = arith.constant 0 : index
    %get3A_329 = vector.load %arg1[%get3A_327, %get3A_328] : memref<6400x128xf32, #tpu.memory_space<vmem>>, vector<200x128xf32>
    %get3A_330 = arith.constant 22 : index
    %get3A_331 = arith.constant 0 : index
    %get3A_332 = vector.load %arg2[%get3A_330, %get3A_331] : memref<32x128xf32, #tpu.memory_space<vmem>>, vector<1x128xf32>
    %get3A_333 = arith.constant 22 : index
    %get3A_334 = arith.constant 0 : index
    %get3A_335 = vector.load %arg3[%get3A_333, %get3A_334] : memref<32x128xf32, #tpu.memory_space<vmem>>, vector<1x128xf32>
    %add3A_336 = arith.addf %get3A_332, %get3A_335 : vector<1x128xf32>
    %add3A_337 = vector.broadcast %add3A_336 : vector<1x128xf32> to vector<200x128xf32>
    %add3A_338 = arith.addf %get3A_329, %add3A_337 : vector<200x128xf32>
    %swap3A_339 = arith.constant 4400 : index
    %swap3A_340 = arith.constant 0 : index
    %swap3A_341 = vector.load %arg4[%swap3A_339, %swap3A_340] : memref<6400x128xf32, #tpu.memory_space<vmem>>, vector<200x128xf32>
    tpu.vector_store %arg4[%swap3A_339, %swap3A_340], %add3A_338 {strides = array<i32>} : memref<6400x128xf32, #tpu.memory_space<vmem>>, vector<200x128xf32>,
    %get3A_342 = arith.constant 4600 : index
    %get3A_343 = arith.constant 0 : index
    %get3A_344 = vector.load %arg1[%get3A_342, %get3A_343] : memref<6400x128xf32, #tpu.memory_space<vmem>>, vector<200x128xf32>
    %get3A_345 = arith.constant 23 : index
    %get3A_346 = arith.constant 0 : index
    %get3A_347 = vector.load %arg2[%get3A_345, %get3A_346] : memref<32x128xf32, #tpu.memory_space<vmem>>, vector<1x128xf32>
    %get3A_348 = arith.constant 23 : index
    %get3A_349 = arith.constant 0 : index
    %get3A_350 = vector.load %arg3[%get3A_348, %get3A_349] : memref<32x128xf32, #tpu.memory_space<vmem>>, vector<1x128xf32>
    %add3A_351 = arith.addf %get3A_347, %get3A_350 : vector<1x128xf32>
    %add3A_352 = vector.broadcast %add3A_351 : vector<1x128xf32> to vector<200x128xf32>
    %add3A_353 = arith.addf %get3A_344, %add3A_352 : vector<200x128xf32>
    %swap3A_354 = arith.constant 4600 : index
    %swap3A_355 = arith.constant 0 : index
    %swap3A_356 = vector.load %arg4[%swap3A_354, %swap3A_355] : memref<6400x128xf32, #tpu.memory_space<vmem>>, vector<200x128xf32>
    tpu.vector_store %arg4[%swap3A_354, %swap3A_355], %add3A_353 {strides = array<i32>} : memref<6400x128xf32, #tpu.memory_space<vmem>>, vector<200x128xf32>,
    %get3A_357 = arith.constant 4800 : index
    %get3A_358 = arith.constant 0 : index
    %get3A_359 = vector.load %arg1[%get3A_357, %get3A_358] : memref<6400x128xf32, #tpu.memory_space<vmem>>, vector<200x128xf32>
    %get3A_360 = arith.constant 24 : index
    %get3A_361 = arith.constant 0 : index
    %get3A_362 = vector.load %arg2[%get3A_360, %get3A_361] : memref<32x128xf32, #tpu.memory_space<vmem>>, vector<1x128xf32>
    %get3A_363 = arith.constant 24 : index
    %get3A_364 = arith.constant 0 : index
    %get3A_365 = vector.load %arg3[%get3A_363, %get3A_364] : memref<32x128xf32, #tpu.memory_space<vmem>>, vector<1x128xf32>
    %add3A_366 = arith.addf %get3A_362, %get3A_365 : vector<1x128xf32>
    %add3A_367 = vector.broadcast %add3A_366 : vector<1x128xf32> to vector<200x128xf32>
    %add3A_368 = arith.addf %get3A_359, %add3A_367 : vector<200x128xf32>
    %swap3A_369 = arith.constant 4800 : index
    %swap3A_370 = arith.constant 0 : index
    %swap3A_371 = vector.load %arg4[%swap3A_369, %swap3A_370] : memref<6400x128xf32, #tpu.memory_space<vmem>>, vector<200x128xf32>
    tpu.vector_store %arg4[%swap3A_369, %swap3A_370], %add3A_368 {strides = array<i32>} : memref<6400x128xf32, #tpu.memory_space<vmem>>, vector<200x128xf32>,
    %get3A_372 = arith.constant 5000 : index
    %get3A_373 = arith.constant 0 : index
    %get3A_374 = vector.load %arg1[%get3A_372, %get3A_373] : memref<6400x128xf32, #tpu.memory_space<vmem>>, vector<200x128xf32>
    %get3A_375 = arith.constant 25 : index
    %get3A_376 = arith.constant 0 : index
    %get3A_377 = vector.load %arg2[%get3A_375, %get3A_376] : memref<32x128xf32, #tpu.memory_space<vmem>>, vector<1x128xf32>
    %get3A_378 = arith.constant 25 : index
    %get3A_379 = arith.constant 0 : index
    %get3A_380 = vector.load %arg3[%get3A_378, %get3A_379] : memref<32x128xf32, #tpu.memory_space<vmem>>, vector<1x128xf32>
    %add3A_381 = arith.addf %get3A_377, %get3A_380 : vector<1x128xf32>
    %add3A_382 = vector.broadcast %add3A_381 : vector<1x128xf32> to vector<200x128xf32>
    %add3A_383 = arith.addf %get3A_374, %add3A_382 : vector<200x128xf32>
    %swap3A_384 = arith.constant 5000 : index
    %swap3A_385 = arith.constant 0 : index
    %swap3A_386 = vector.load %arg4[%swap3A_384, %swap3A_385] : memref<6400x128xf32, #tpu.memory_space<vmem>>, vector<200x128xf32>
    tpu.vector_store %arg4[%swap3A_384, %swap3A_385], %add3A_383 {strides = array<i32>} : memref<6400x128xf32, #tpu.memory_space<vmem>>, vector<200x128xf32>,
    %get3A_387 = arith.constant 5200 : index
    %get3A_388 = arith.constant 0 : index
    %get3A_389 = vector.load %arg1[%get3A_387, %get3A_388] : memref<6400x128xf32, #tpu.memory_space<vmem>>, vector<200x128xf32>
    %get3A_390 = arith.constant 26 : index
    %get3A_391 = arith.constant 0 : index
    %get3A_392 = vector.load %arg2[%get3A_390, %get3A_391] : memref<32x128xf32, #tpu.memory_space<vmem>>, vector<1x128xf32>
    %get3A_393 = arith.constant 26 : index
    %get3A_394 = arith.constant 0 : index
    %get3A_395 = vector.load %arg3[%get3A_393, %get3A_394] : memref<32x128xf32, #tpu.memory_space<vmem>>, vector<1x128xf32>
    %add3A_396 = arith.addf %get3A_392, %get3A_395 : vector<1x128xf32>
    %add3A_397 = vector.broadcast %add3A_396 : vector<1x128xf32> to vector<200x128xf32>
    %add3A_398 = arith.addf %get3A_389, %add3A_397 : vector<200x128xf32>
    %swap3A_399 = arith.constant 5200 : index
    %swap3A_400 = arith.constant 0 : index
    %swap3A_401 = vector.load %arg4[%swap3A_399, %swap3A_400] : memref<6400x128xf32, #tpu.memory_space<vmem>>, vector<200x128xf32>
    tpu.vector_store %arg4[%swap3A_399, %swap3A_400], %add3A_398 {strides = array<i32>} : memref<6400x128xf32, #tpu.memory_space<vmem>>, vector<200x128xf32>,
    %get3A_402 = arith.constant 5400 : index
    %get3A_403 = arith.constant 0 : index
    %get3A_404 = vector.load %arg1[%get3A_402, %get3A_403] : memref<6400x128xf32, #tpu.memory_space<vmem>>, vector<200x128xf32>
    %get3A_405 = arith.constant 27 : index
    %get3A_406 = arith.constant 0 : index
    %get3A_407 = vector.load %arg2[%get3A_405, %get3A_406] : memref<32x128xf32, #tpu.memory_space<vmem>>, vector<1x128xf32>
    %get3A_408 = arith.constant 27 : index
    %get3A_409 = arith.constant 0 : index
    %get3A_410 = vector.load %arg3[%get3A_408, %get3A_409] : memref<32x128xf32, #tpu.memory_space<vmem>>, vector<1x128xf32>
    %add3A_411 = arith.addf %get3A_407, %get3A_410 : vector<1x128xf32>
    %add3A_412 = vector.broadcast %add3A_411 : vector<1x128xf32> to vector<200x128xf32>
    %add3A_413 = arith.addf %get3A_404, %add3A_412 : vector<200x128xf32>
    %swap3A_414 = arith.constant 5400 : index
    %swap3A_415 = arith.constant 0 : index
    %swap3A_416 = vector.load %arg4[%swap3A_414, %swap3A_415] : memref<6400x128xf32, #tpu.memory_space<vmem>>, vector<200x128xf32>
    tpu.vector_store %arg4[%swap3A_414, %swap3A_415], %add3A_413 {strides = array<i32>} : memref<6400x128xf32, #tpu.memory_space<vmem>>, vector<200x128xf32>,
    %get3A_417 = arith.constant 5600 : index
    %get3A_418 = arith.constant 0 : index
    %get3A_419 = vector.load %arg1[%get3A_417, %get3A_418] : memref<6400x128xf32, #tpu.memory_space<vmem>>, vector<200x128xf32>
    %get3A_420 = arith.constant 28 : index
    %get3A_421 = arith.constant 0 : index
    %get3A_422 = vector.load %arg2[%get3A_420, %get3A_421] : memref<32x128xf32, #tpu.memory_space<vmem>>, vector<1x128xf32>
    %get3A_423 = arith.constant 28 : index
    %get3A_424 = arith.constant 0 : index
    %get3A_425 = vector.load %arg3[%get3A_423, %get3A_424] : memref<32x128xf32, #tpu.memory_space<vmem>>, vector<1x128xf32>
    %add3A_426 = arith.addf %get3A_422, %get3A_425 : vector<1x128xf32>
    %add3A_427 = vector.broadcast %add3A_426 : vector<1x128xf32> to vector<200x128xf32>
    %add3A_428 = arith.addf %get3A_419, %add3A_427 : vector<200x128xf32>
    %swap3A_429 = arith.constant 5600 : index
    %swap3A_430 = arith.constant 0 : index
    %swap3A_431 = vector.load %arg4[%swap3A_429, %swap3A_430] : memref<6400x128xf32, #tpu.memory_space<vmem>>, vector<200x128xf32>
    tpu.vector_store %arg4[%swap3A_429, %swap3A_430], %add3A_428 {strides = array<i32>} : memref<6400x128xf32, #tpu.memory_space<vmem>>, vector<200x128xf32>,
    %get3A_432 = arith.constant 5800 : index
    %get3A_433 = arith.constant 0 : index
    %get3A_434 = vector.load %arg1[%get3A_432, %get3A_433] : memref<6400x128xf32, #tpu.memory_space<vmem>>, vector<200x128xf32>
    %get3A_435 = arith.constant 29 : index
    %get3A_436 = arith.constant 0 : index
    %get3A_437 = vector.load %arg2[%get3A_435, %get3A_436] : memref<32x128xf32, #tpu.memory_space<vmem>>, vector<1x128xf32>
    %get3A_438 = arith.constant 29 : index
    %get3A_439 = arith.constant 0 : index
    %get3A_440 = vector.load %arg3[%get3A_438, %get3A_439] : memref<32x128xf32, #tpu.memory_space<vmem>>, vector<1x128xf32>
    %add3A_441 = arith.addf %get3A_437, %get3A_440 : vector<1x128xf32>
    %add3A_442 = vector.broadcast %add3A_441 : vector<1x128xf32> to vector<200x128xf32>
    %add3A_443 = arith.addf %get3A_434, %add3A_442 : vector<200x128xf32>
    %swap3A_444 = arith.constant 5800 : index
    %swap3A_445 = arith.constant 0 : index
    %swap3A_446 = vector.load %arg4[%swap3A_444, %swap3A_445] : memref<6400x128xf32, #tpu.memory_space<vmem>>, vector<200x128xf32>
    tpu.vector_store %arg4[%swap3A_444, %swap3A_445], %add3A_443 {strides = array<i32>} : memref<6400x128xf32, #tpu.memory_space<vmem>>, vector<200x128xf32>,
    %get3A_447 = arith.constant 6000 : index
    %get3A_448 = arith.constant 0 : index
    %get3A_449 = vector.load %arg1[%get3A_447, %get3A_448] : memref<6400x128xf32, #tpu.memory_space<vmem>>, vector<200x128xf32>
    %get3A_450 = arith.constant 30 : index
    %get3A_451 = arith.constant 0 : index
    %get3A_452 = vector.load %arg2[%get3A_450, %get3A_451] : memref<32x128xf32, #tpu.memory_space<vmem>>, vector<1x128xf32>
    %get3A_453 = arith.constant 30 : index
    %get3A_454 = arith.constant 0 : index
    %get3A_455 = vector.load %arg3[%get3A_453, %get3A_454] : memref<32x128xf32, #tpu.memory_space<vmem>>, vector<1x128xf32>
    %add3A_456 = arith.addf %get3A_452, %get3A_455 : vector<1x128xf32>
    %add3A_457 = vector.broadcast %add3A_456 : vector<1x128xf32> to vector<200x128xf32>
    %add3A_458 = arith.addf %get3A_449, %add3A_457 : vector<200x128xf32>
    %swap3A_459 = arith.constant 6000 : index
    %swap3A_460 = arith.constant 0 : index
    %swap3A_461 = vector.load %arg4[%swap3A_459, %swap3A_460] : memref<6400x128xf32, #tpu.memory_space<vmem>>, vector<200x128xf32>
    tpu.vector_store %arg4[%swap3A_459, %swap3A_460], %add3A_458 {strides = array<i32>} : memref<6400x128xf32, #tpu.memory_space<vmem>>, vector<200x128xf32>,
    %get3A_462 = arith.constant 6200 : index
    %get3A_463 = arith.constant 0 : index
    %get3A_464 = vector.load %arg1[%get3A_462, %get3A_463] : memref<6400x128xf32, #tpu.memory_space<vmem>>, vector<200x128xf32>
    %get3A_465 = arith.constant 31 : index
    %get3A_466 = arith.constant 0 : index
    %get3A_467 = vector.load %arg2[%get3A_465, %get3A_466] : memref<32x128xf32, #tpu.memory_space<vmem>>, vector<1x128xf32>
    %get3A_468 = arith.constant 31 : index
    %get3A_469 = arith.constant 0 : index
    %get3A_470 = vector.load %arg3[%get3A_468, %get3A_469] : memref<32x128xf32, #tpu.memory_space<vmem>>, vector<1x128xf32>
    %add3A_471 = arith.addf %get3A_467, %get3A_470 : vector<1x128xf32>
    %add3A_472 = vector.broadcast %add3A_471 : vector<1x128xf32> to vector<200x128xf32>
    %add3A_473 = arith.addf %get3A_464, %add3A_472 : vector<200x128xf32>
    %swap3A_474 = arith.constant 6200 : index
    %swap3A_475 = arith.constant 0 : index
    %swap3A_476 = vector.load %arg4[%swap3A_474, %swap3A_475] : memref<6400x128xf32, #tpu.memory_space<vmem>>, vector<200x128xf32>
    tpu.vector_store %arg4[%swap3A_474, %swap3A_475], %add3A_473 {strides = array<i32>} : memref<6400x128xf32, #tpu.memory_space<vmem>>, vector<200x128xf32>,
    return
  }
  func.func @transform_0(%arg0: i32) -> (i32, i32) {
    %c0_i32 = arith.constant 0 : i32
    %c0_i32_0 = arith.constant 0 : i32
    return %arg0, %c0_i32 : i32, i32
  }
  func.func @transform_1(%arg0: i32) -> (i32, i32) {
    %c0_i32 = arith.constant 0 : i32
    %c0_i32_0 = arith.constant 0 : i32
    return %arg0, %c0_i32 : i32, i32
  }
  func.func @transform_2(%arg0: i32) -> (i32, i32) {
    %c0_i32 = arith.constant 0 : i32
    %c0_i32_0 = arith.constant 0 : i32
    return %arg0, %c0_i32 : i32, i32
  }
  func.func @transform_3(%arg0: i32) -> (i32, i32) {
    %c0_i32 = arith.constant 0 : i32
    %c0_i32_0 = arith.constant 0 : i32
    return %arg0, %c0_i32 : i32, i32
  }
}

</mosaic_0001>

<sc_bundles>
// kernel: kernel.4.cloned.1.call-start
scs
__scs_entry_jumppad:
0x0: {  	(pc) =	sbr.rel $0x88, $3  }
0x1: {  	(tag) =	ssettag $0x0;
	lr =	simm.s32 $0x1  }
0x2: {  	[smem:$0x3F9C] =	sst lr;
	_ =	strace $0xD0000000  }
0x3: {  	_ = 	snop  }
0x4: {  	_ = 	snop  }
0x5: {  	_ = 	snop  }
0x6: {  	_ = 	snop  }
0x7: {  	_ = 	snop  }
__scs_overlays_trampoline_lowered:
0x8: {  	[smem:$0x3FAB] =	sst s0  }
0x9: {  	[smem:$0x3FAC] =	sst s1  }
0xa: {  	[smem:$0x3FAD] =	sst s2  }
0xb: {  	[smem:$0x3FAE] =	sst s3  }
0xc: {  	[smem:$0x3FAF] =	sst s4  }
0xd: {  	[smem:$0x3FB0] =	sst s5  }
0xe: {  	[smem:$0x3FB1] =	sst s6  }
0xf: {  	[smem:$0x3FB2] =	sst s7  }
0x10: {  	[smem:$0x3FB3] =	sst s8  }
0x11: {  	[smem:$0x3FB4] =	sst s9;
	s0 =	simm.s32 @!p0 $0x0  }
0x12: {  	s1 =	sld [smem:$0x3F9A];
	s0 =	simm.s32 @p0 $0x1  }
0x13: {  	[smem:$0x3FB5] =	sst s0;
	s0 =	simm.s32 @!p1 $0x0  }
0x14: {  	s2 =	sld [smem:$0x3F99];
	s0 =	simm.s32 @p1 $0x1  }
0x15: {  	[smem:$0x3FB6] =	sst s0;
	s0 =	simm.s32 @!p2 $0x0  }
0x16: {  	s3 =	sld [smem:$0x3FDB];
	s0 =	simm.s32 @p2 $0x1  }
0x17: {  	s4 =	simm.s32 $0x1BF5;
	[smem:$0x3FB8] =	sst s0  }
0x18: {  	s0 =	sld [smem:$0x3F9B];
	_ =	swait.ge [sflag:s4], $0x0  }
0x19: {  	s7 =	sld [smem:$0x3F9C]  }
0x1a: {  	s8 =	sadd.s32 $0xFFFFE003, lr  }
0x1b: {  	s9 =	sadd.s32 $0xFFFFFEF7, lr;
	s5 =	simm.s32 $0xFFFFFFFF;
	p2 =	slt.u32 s8, $0xFFFFF086  }
0x1c: {  	p1 =	slt.u32 s9, $0xF7A;
	s5 =	simm.s32 @!p2 $0x0  }
0x1d: {  	s5 =	simm.s32 @p1 $0x1;
	p0 =	seq.s32 s7, s2  }
0x1e: {  	s7 =	smul.u32 @!p0 $0xF7A, s2;
	p2 =	seq.s32 @!p0 s5, $0x0  }
0x1f: {  	s9 =	smul.u32 $0xF7A, s1;
	s8 =	simm.s32 @!p0 $0x1BF5;
	p2 =	por !p2, p0  }
0x20: {  	[sflag:s8] =	ssyncset.s32 @!p0 $0xFFFFF086;
	s6 =	sadd.s32 @!p0 s3, s7;
	s7 =	simm.s32 @!p0 $0x108  }
0x21: {  	s3 =	sadd.s32 s3, s9;
	s6 =	sadd.s32 @!p0 $0x88, s6;
	s7 =	simm.s32 @p2 $0x1082  }
0x22: {  	[simem:s7], [sflag:s8] =	dma.local @!p0 [hbm:s6], $0xF7A  }
0x23: {  	s9 =	sor.u32 $0xD0000000, s2;
	s6 =	simm.s32 $0x108;
	_ =	swait.ge @!p0 [sflag:s8], $0x0  }
0x24: {  	s3 =	sadd.s32 $0x88, s3;
	s6 =	simm.s32 @!p1 $0x1082;
	[sflag:s4] =	ssyncset.s32 $0xFFFFF086  }
0x25: {  	[simem:s6], [sflag:s4] =	dma.local [hbm:s3], $0xF7A  }
0x26: {  	[smem:$0x3F9C] =	sst s1;
	(tag) =	ssettag s2;
	_ =	strace s9  }
0x27: {  	s1 =	sld [smem:$0x3FAC]  }
0x28: {  	s2 =	sld [smem:$0x3FAD]  }
0x29: {  	s4 =	sld [smem:$0x3FAF]  }
0x2a: {  	p0 =	seq.s32 s5, $0x0;
	s5 =	sld [smem:$0x3FB0]  }
0x2b: {  	s6 =	sld [smem:$0x3FB1]  }
0x2c: {  	s7 =	sld [smem:$0x3FB2]  }
0x2d: {  	s3 =	simm.s32 $0x108;
	s8 =	sld [smem:$0x3FB3]  }
0x2e: {  	s3 =	simm.s32 @!p0 $0x1082;
	s9 =	sld [smem:$0x3FB4]  }
0x2f: {  	lr =	sadd.s32 s0, s3;
	s0 =	sld [smem:$0x3FAB]  }
0x30: {  	s3 =	sld [smem:$0x3FAE]  }
0x31: {  	[smem:$0x3FB7] =	sst s10  }
0x32: {  	s10 =	sld [smem:$0x3FB5];
	_ =	sdelay $0x3  }
0x33: {  	p0 =	seq.s32 s10, $0x1;
	s10 =	sld [smem:$0x3FB7];
	_ =	sdelay $0x3  }
0x34: {  	[smem:$0x3FB7] =	sst s10  }
0x35: {  	s10 =	sld [smem:$0x3FB6];
	_ =	sdelay $0x3  }
0x36: {  	p1 =	seq.s32 s10, $0x1;
	s10 =	sld [smem:$0x3FB7];
	_ =	sdelay $0x3  }
0x37: {  	[smem:$0x3FB7] =	sst s10  }
0x38: {  	s10 =	sld [smem:$0x3FB8]  }
0x39: {  	_ = 	snop;
	(pc) =	sbr.ind lr, $3  }
0x3a: {  	_ = 	snop  }
0x3b: {  	_ = 	snop  }
0x3c: {  	p2 =	seq.s32 s10, $0x1;
	s10 =	sld [smem:$0x3FB7]  }
0x3d: {  	_ =	shalt  }
0x3e: {  	_ =	shalt  }
0x3f: {  	_ =	shalt  }
0x40: {  	_ =	shalt  }
0x41: {  	_ =	shalt  }
0x42: {  	_ =	shalt  }
0x43: {  	_ =	shalt  }
0x44: {  	_ =	shalt  }
0x45: {  	_ =	shalt  }
0x46: {  	_ =	shalt  }
0x47: {  	_ =	shalt  }
0x48: {  	_ =	shalt  }
0x49: {  	_ =	shalt  }
0x4a: {  	_ =	shalt  }
0x4b: {  	_ =	shalt  }
0x4c: {  	_ =	shalt  }
0x4d: {  	_ =	shalt  }
0x4e: {  	_ =	shalt  }
0x4f: {  	_ =	shalt  }
0x50: {  	_ =	shalt  }
0x51: {  	_ =	shalt  }
0x52: {  	_ =	shalt  }
0x53: {  	_ =	shalt  }
0x54: {  	_ =	shalt  }
0x55: {  	_ =	shalt  }
0x56: {  	_ =	shalt  }
0x57: {  	_ =	shalt  }
0x58: {  	_ =	shalt  }
0x59: {  	_ =	shalt  }
0x5a: {  	_ =	shalt  }
0x5b: {  	_ =	shalt  }
0x5c: {  	_ =	shalt  }
0x5d: {  	_ =	shalt  }
0x5e: {  	_ =	shalt  }
0x5f: {  	_ =	shalt  }
0x60: {  	_ =	shalt  }
0x61: {  	_ =	shalt  }
0x62: {  	_ =	shalt  }
0x63: {  	_ =	shalt  }
0x64: {  	_ =	shalt  }
0x65: {  	_ =	shalt  }
0x66: {  	_ =	shalt  }
0x67: {  	_ =	shalt  }
0x68: {  	_ =	shalt  }
0x69: {  	_ =	shalt  }
0x6a: {  	_ =	shalt  }
0x6b: {  	_ =	shalt  }
0x6c: {  	_ =	shalt  }
0x6d: {  	_ =	shalt  }
0x6e: {  	_ =	shalt  }
0x6f: {  	_ =	shalt  }
0x70: {  	_ =	shalt  }
0x71: {  	_ =	shalt  }
0x72: {  	_ =	shalt  }
0x73: {  	_ =	shalt  }
0x74: {  	_ =	shalt  }
0x75: {  	_ =	shalt  }
0x76: {  	_ =	shalt  }
0x77: {  	_ =	shalt  }
0x78: {  	_ =	shalt  }
0x79: {  	_ =	shalt  }
0x7a: {  	_ =	shalt  }
0x7b: {  	_ =	shalt  }
0x7c: {  	_ =	shalt  }
0x7d: {  	_ =	shalt  }
0x7e: {  	_ =	shalt  }
0x7f: {  	_ =	shalt  }
0x80: {  	_ =	shalt  }
0x81: {  	_ =	shalt  }
0x82: {  	_ =	shalt  }
0x83: {  	_ =	shalt  }
0x84: {  	_ =	shalt  }
0x85: {  	_ =	shalt  }
0x86: {  	_ =	shalt  }
0x87: {  	_ =	shalt  }
.Lfunc_end0:
.L_simem_size_0:
called_computation_lowered:
.L_overlay_start_0:
0x88: {  	s2 =	sld [smem:$0x3FD9]  }
0x89: {  	s3 =	sld [smem:$0x3FFE];
	_ =	sdelay $0x1  }
0x8a: {  	s1 =	srdreg.scid  }
0x8b: {  	s0 =	sand.u32 $0x1, s1  }
0x8c: {  	s17 =	sshll.u32 s0, $0xA;
	s2 =	sadd.s32 s3, s2  }
0x8d: {  	s2 =	sadd.s32 s2, s17  }
0x8e: {  	[smem:$0x3FC3] =	sst s2  }
0x8f: {  	_ = 	snop  }
0x90: {  	s2 =	sld [smem:$0x3FC8]  }
0x91: {  	s18 =	sld [smem:$0x3FC7]  }
0x92: {  	s4 =	sld [smem:$0x3FC6]  }
0x93: {  	s5 =	sld [smem:$0x3FC5]  }
0x94: {  	s6 =	sld [smem:$0x3FD0];
	(tm) =	ssettm $0x1  }
0x95: {  	s7 =	sld [smem:$0x3FFB];
	_ =	sdelay $0x3  }
0x96: {  	_ =	strace s7  }
0x97: {  	s7 =	sld [smem:$0x3FFC];
	_ =	sdelay $0x3  }
0x98: {  	_ =	strace s7  }
0x99: {  	s7 =	sld [smem:$0x3FFD];
	_ =	sdelay $0x3  }
0x9a: {  	_ =	strace s7  }
0x9b: {  	_ =	strace $0x8FFFFFFF  }
0x9c: {  	s19 =	sld [smem:$0x3FDB];
	_ =	sdelay $0x1  }
0x9d: {  	s8 =	simm.s32 $_scs_section_size  }
0x9e: {  	s9 =	simm.s32 $_size__tile_overlayer_lowered;
	s10 =	simm.s32 $_tile_overlayer_lowered  }
0x9f: {  	s22 =	simm.s32 $0x1BFF;
	s21 =	sshll.u32 s10, $0x1;
	s7 =	sadd.s32 s8, s19  }
0xa0: {  	s11 =	simm.s32 $0x0;
	s20 =	sshll.u32 s9, $0x1;
	s9 =	sadd.s32 s21, s7  }
0xa1: {  	[timem:s11], [sflag:s22] =	dma.local [hbm:s9], s20  }
0xa2: {  	_ =	swait.ge [sflag:s22], s20  }
0xa3: {  	s8 =	ssub.s32 $0x0, s20;
	[sflag:s22] =	ssyncset.done $0x0  }
0xa4: {  	[sflag:s22] =	ssyncadd.s32 s8;
	_ =	sdelay $0x1  }
0xa5: {  	s23 =	simm.s32 $0x1B8B  }
0xa6: {  	_ =	swait.ge [sflag:s23], $0x1  }
0xa7: {  	[sflag:s23] =	ssyncset.done $0x0  }
0xa8: {  	s25 =	simm.s32 $0x1B8E;
	s24 =	sld [smem:$0x3FFE];
	[sflag:s23] =	ssyncadd.s32 $0xFFFFFFFF  }
0xa9: {  	s26 =	simm.s32 $execute0_lowered;
	[smem:$0x3FD2] =	sst s25  }
0xaa: {  	s9 =	sshll.u32 s26, $0x1;
	_ =	strace $0x80000046;
	[dreg:$0x1] =	wrdreg $0xFFFFFFFF  }
0xab: {  	s28 =	simm.s32 $_size_execute0_lowered;
	s7 =	sadd.s32 s7, s9;
	[dreg:$0x0] =	wrdreg $0x0  }
0xac: {  	s9 =	sshll.u32 s28, $0x1;
	[dreg:$0x2] =	wrdreg s7  }
0xad: {  	[dreg:$0x3] =	wrdreg s9  }
0xae: {  	[dreg:$0x4] =	wrdreg $0xC0  }
0xaf: {  	_ =	task [dreg:s11], $0x5FFFF  }
0xb0: {  	[dreg:$0x1] =	wrdreg $0xFFFFFFFF  }
0xb1: {  	[dreg:$0x0] =	wrdreg $0x60  }
0xb2: {  	[dreg:$0x2] =	wrdreg s2  }
0xb3: {  	[dreg:$0x3] =	wrdreg s18  }
0xb4: {  	[dreg:$0x4] =	wrdreg s4  }
0xb5: {  	[dreg:$0x5] =	wrdreg s5  }
0xb6: {  	[dreg:$0x6] =	wrdreg s6  }
0xb7: {  	[dreg:$0x7] =	wrdreg s24  }
0xb8: {  	[dreg:$0x8] =	wrdreg $0x9  }
0xb9: {  	_ =	task.clear_ibuf [dreg:s11], $0x9FFFF;
	_ =	strace $0x90000046  }
0xba: {  	s29 =	simm.s32 $0x9;
	_ =	strace $0x80000048  }
0xbb: {  	_ =	swait.ge [sflag:s29], $0x1  }
0xbc: {  	[sflag:s29] =	ssyncadd.s32 $0xFFFFFFFF  }
0xbd: {  	_ =	strace $0x90000048  }
0xbe: {  	_ =	sfence  }
0xbf: {  	s30 =	sld [smem:$0x0];
	_ =	sdelay $0x2  }
0xc0: {  	s31 =	sshll.u32 s1, $0xD;
	s1 =	sshrl.u32 s1, $0x2  }
0xc1: {  	s3 =	sand.u32 $0x4000, s31;
	s1 =	sadd.s32 s1, s30  }
0xc2: {  	s0 =	sor.u32 s3, s0;
	s1 =	sshll.u32 s1, $0x11  }
0xc3: {  	s0 =	sor.u32 s1, s0  }
0xc4: {  	s0 =	sadd.s32 $0x8F2B, s0  }
0xc5: {  	[sflag:s0] =	ssyncadd.remote.s32 $0x1  }
0xc6: {  	_ =	sfence.sel $0xFFFF  }
0xc7: {  	[dreg:$0x0] =	wrdreg $0xFFFFFFFF;
	(pc) =	sbr.abs _section_cstart, $3  }
0xc8: {  	[dreg:$0x1] =	wrdreg $0xFFFFFFFF  }
0xc9: {  	_ =	task.clear_ibuf [dreg:s11], $0x2FFFF;
	_ =	strace $0x9FFFFFFF  }
0xca: {  	(tm) =	ssettm $0x7FFFFFFF  }
0xcb: {  	_ =	shalt  }
tec
execute0_lowered:
.L_overlay_start_1:
0x0: {  	(tag) =	ssettag $0x1  }
0x1: {  	s5 =	rddreg [dreg:$0x0]  }
0x2: {  	s7 =	rddreg [dreg:$0x1]  }
0x3: {  	s1 =	rddreg [dreg:$0x2]  }
0x4: {  	s2 =	rddreg [dreg:$0x3];
	s3 =	srdreg.scid  }
0x5: {  	s13 =	rddreg [dreg:$0x4];
	s0 =	stileid.u32;
	s14 =	sand.u32 $0x1, s3  }
0x6: {  	s15 =	rddreg [dreg:$0x5];
	s6 =	sshll.u32 s0, $0x8;
	s8 =	sshll.u32 s14, $0x7  }
0x7: {  	s4 =	simm.s32 $0x0;
	s3 =	rddreg [dreg:$0x6];
	s16 =	sor.u32 s8, s6  }
0x8: {  	[smem:$0x7FF] =	sst s4;
	s8 =	sshrl.u32 s16, $0x3  }
0x9: {  	_ =	strace $0x80000047;
	s6 =	sadd.s32 s5, s8;
	s5 =	simm.s32 $0x3  }
0xa: {  	[tilespmem:s4], [sflag:$0x3] =	stream.linear.gather [hbm4b:s6+s4], $0x80, $0x38;
	[tilespmem:$0x8100] =	vst v63  }
0xb: {  	_ =	swait.ge [sflag:s5], $0x80  }
0xc: {  	[sflag:s5] =	ssyncset.done $0x0  }
0xd: {  	s7 =	sadd.s32 s7, s8;
	s8 =	simm.s32 $0x80;
	[sflag:s5] =	ssyncadd.s32 $0xFFFFFF80  }
0xe: {  	[tilespmem:s8], [sflag:$0x3] =	stream.linear.gather [hbm4b:s7+s4], $0x80, $0x38;
	[tilespmem:$0x8100] =	vst v63  }
0xf: {  	_ =	swait.ge [sflag:s5], $0x80  }
0x10: {  	[sflag:s5] =	ssyncset.done $0x0  }
0x11: {  	s9 =	simm.s32 $0x100;
	[sflag:s5] =	ssyncadd.s32 $0xFFFFFF80  }
0x12: {  	[tilespmem:s9], [sflag:$0x1] =	stream.indirect.gather [hbm4b:s1+s8], $0x80, s4, s8, $0xb8;
	[tilespmem:$0x8100] =	vst v63  }
0x13: {  	s10 =	simm.s32 $0x4100;
	s11 =	simm.s32 $0x1  }
0x14: {  	[tilespmem:s10], [sflag:$0x2] =	stream.indirect.gather [hbm4b:s2+s8], $0x80, s8, s8, $0xb8;
	[tilespmem:$0x8100] =	vst v63  }
0x15: {  	_ =	swait.ge [sflag:s11], $0x4000  }
0x16: {  	[sflag:s11] =	ssyncset.done $0x0  }
0x17: {  	s12 =	simm.s32 $0x2;
	s14 =	ssub.s32 $0x2, s14;
	[sflag:s11] =	ssyncadd.s32 $0xFFFFC000  }
0x18: {  	s17 =	sshrl.u32 s14, $0x1;
	_ =	swait.ge [sflag:s12], $0x4000  }
0x19: {  	s16 =	sshll.u32 s16, $0x4;
	s30 =	ssub.s32 s14, s17;
	[sflag:s12] =	ssyncset.done $0x0  }
0x1a: {  	s13 =	sadd.s32 s13, s16;
	s31 =	smax.u32 s30, $0x1;
	[sflag:s12] =	ssyncadd.s32 $0xFFFFC000  }
0x1b: {  	[hbm4b:s13+s4] =	stream.linear.scatter [tilespmem:s9], [sflag:$0x3], $0x4000, $0x38;
	[tilespmem:$0x8100] =	vst v63  }
0x1c: {  	p0 =	sne.s32 s31, $0x1;
	_ =	swait.ge [sflag:s5], $0x4000  }
.Ltmp0:
0x1d: {  	s15 =	sadd.s32 s16, s15;
	[sflag:s5] =	ssyncset.done $0x0;
	(pc) =	sbr.rel @!p0 .LBB2_2-.Ltmp0, $4  }
0x1e: {  	s14 =	sadd.s32 $0xC00, s15;
	[sflag:s5] =	ssyncadd.s32 $0xFFFFC000  }
0x1f: {  	[hbm4b:s14+s4] =	stream.linear.scatter [tilespmem:s10], [sflag:$0x3], $0x4000, $0x38;
	[tilespmem:$0x8100] =	vst v63  }
0x20: {  	_ =	swait.ge [sflag:s5], $0x4000  }
0x21: {  	s15 =	sadd.s32 $0xFFFFFFFF, s31;
	[sflag:s5] =	ssyncset.done $0x0  }
.LBB2_1:
0x22: {  	p0 =	sne.s32 s15, $0x1;
	s15 =	sadd.s32 $0xFFFFFFFF, s15;
	[sflag:s5] =	ssyncadd.s32 $0xFFFFC000  }
0x23: {  	[tilespmem:s4], [sflag:$0x3] =	stream.linear.gather [hbm4b:s6+s4], $0x80, $0x38;
	[tilespmem:$0x8100] =	vst v63  }
0x24: {  	_ =	swait.ge [sflag:s5], $0x80  }
0x25: {  	[sflag:s5] =	ssyncset.done $0x0  }
0x26: {  	[sflag:s5] =	ssyncadd.s32 $0xFFFFFF80  }
0x27: {  	[tilespmem:s8], [sflag:$0x3] =	stream.linear.gather [hbm4b:s7+s4], $0x80, $0x38;
	[tilespmem:$0x8100] =	vst v63  }
0x28: {  	_ =	swait.ge [sflag:s5], $0x80  }
0x29: {  	[sflag:s5] =	ssyncset.done $0x0  }
0x2a: {  	[sflag:s5] =	ssyncadd.s32 $0xFFFFFF80  }
0x2b: {  	[tilespmem:s9], [sflag:$0x1] =	stream.indirect.gather [hbm4b:s1+s8], $0x80, s4, s8, $0xb8;
	[tilespmem:$0x8100] =	vst v63  }
0x2c: {  	_ = 	snop  }
0x2d: {  	[tilespmem:s10], [sflag:$0x2] =	stream.indirect.gather [hbm4b:s2+s8], $0x80, s8, s8, $0xb8;
	[tilespmem:$0x8100] =	vst v63  }
0x2e: {  	_ =	swait.ge [sflag:s11], $0x4000  }
0x2f: {  	[sflag:s11] =	ssyncset.done $0x0  }
0x30: {  	[sflag:s11] =	ssyncadd.s32 $0xFFFFC000  }
0x31: {  	_ =	swait.ge [sflag:s12], $0x4000  }
0x32: {  	[sflag:s12] =	ssyncset.done $0x0  }
0x33: {  	[sflag:s12] =	ssyncadd.s32 $0xFFFFC000  }
0x34: {  	[hbm4b:s13+s4] =	stream.linear.scatter [tilespmem:s9], [sflag:$0x3], $0x4000, $0x38;
	[tilespmem:$0x8100] =	vst v63  }
0x35: {  	_ =	swait.ge [sflag:s5], $0x4000  }
.Ltmp1:
0x36: {  	[sflag:s5] =	ssyncset.done $0x0;
	(pc) =	sbr.rel @p0 .LBB2_1-.Ltmp1, $4  }
0x37: {  	[sflag:s5] =	ssyncadd.s32 $0xFFFFC000  }
0x38: {  	[hbm4b:s14+s4] =	stream.linear.scatter [tilespmem:s10], [sflag:$0x3], $0x4000, $0x38;
	[tilespmem:$0x8100] =	vst v63  }
0x39: {  	_ =	swait.ge [sflag:s5], $0x4000  }
0x3a: {  	[sflag:s5] =	ssyncset.done $0x0  }
.LBB2_2:
0x3b: {  	[sflag:s5] =	ssyncadd.s32 $0xFFFFC000  }
0x3c: {  	_ =	sfence.sel $0x180000  }
0x3d: {  	[bflag:$0x0] =	sbarrier.arrive $0xFFFF  }
0x3e: {  	p0 =	sne.s32 s0, $0x0;
	_ =	strace $0x90000047  }
0x3f: {  	s0 =	sadd.s32 @!p0 $0x100000, s3;
	[bflag:$0x2] =	sbarrier.arrive $0xFFFF  }
0x40: {  	[sflag:s0] =	ssyncadd.tile.s32 @!p0 $0x1;
	_ =	shalt  }
.Lfunc_end2:
_tile_overlayer_lowered:
.L_overlay_start_2:
0x41: {  	(tag) =	ssettag $0x2  }
0x42: {  	s0 =	rddreg [dreg:$0x0];
	s2 =	stileid.u32  }
0x43: {  	s1 =	rddreg [dreg:$0x1];
	p0 =	sne.s32 s2, $0x0  }
0x44: {  	s3 =	rddreg [dreg:$0x2];
	[bflag:$0x3] =	sbarrier.arrive $0xFFFF;
	s2 =	simm.s32 @!p0 $0x1C03  }
0x45: {  	[timem:s3], [sflag:s2] =	dma.local @!p0 [hbm:s0], s1  }
0x46: {  	s0 =	simm.s32 @!p0 $0x3  }
0x47: {  	_ =	swait.ge @!p0 [sflag:s0], s1  }
0x48: {  	s1 =	ssub.s32 @!p0 $0x0, s1;
	[sflag:s0] =	ssyncset.done @!p0 $0x0  }
0x49: {  	[sflag:s0] =	ssyncadd.s32 @!p0 s1  }
0x4a: {  	[bflag:$0x3] =	sbarrier.arrive $0xFFFF  }
0x4b: {  	_ =	shalt  }

</sc_bundles>
